<compile_context>
chip_gen: v7x
topology: tpu7x:2x2x1
jax: 0.10.2.dev20260603
libtpu: 0.0.44.dev20260713+nightly
codegen_flags: <defaults>
</compile_context>

<pallas_src>
import functools

import jax
import jax.numpy as jnp
from jax import lax
from jax.experimental import pallas as pl
from jax.experimental.pallas import tpu as pltpu
from jax.experimental.pallas import tpu_sc as plsc

_START = 126
_END = 127
_NEG = -10000.0


def _viterbi_fwd_body(u_ref, tt_ref, tend_ref, bp_ref, b0_ref, score_ref):
    L, N = u_ref.shape
    col_iota = jax.lax.broadcasted_iota(jnp.int32, (N, 1), 0)
    idx_col = jax.lax.broadcasted_iota(jnp.int32, (N, N), 0)
    a_col0 = jnp.where(col_iota == _START, 0.0, _NEG).astype(jnp.float32)

    def fwd(t, a_col):
        scores = tt_ref[...] + a_col
        vit = jnp.max(scores, axis=0, keepdims=True)
        best = jnp.min(
            jnp.where(scores == vit, idx_col, N), axis=0, keepdims=True
        )
        bp_ref[pl.ds(t, 1), :] = best
        a_row = vit + u_ref[pl.ds(t, 1), :]
        blk = jnp.broadcast_to(a_row, (8, N))
        return jnp.transpose(blk)[:, 0:1]

    a_fin = jax.lax.fori_loop(0, L, fwd, a_col0)

    lane = jax.lax.broadcasted_iota(jnp.int32, (1, N), 1)
    terminal = jnp.transpose(jnp.broadcast_to(a_fin, (N, 8)))[0:1, :] \
        + tend_ref[...]
    m = jnp.max(terminal)
    b0 = jnp.min(jnp.where(terminal == m, lane, N))
    score_ref[...] = jnp.broadcast_to(m, (1, 1))
    b0_ref[...] = jnp.broadcast_to(b0, (1, N))


def _make_chase(L):
    CH = 512
    mesh = plsc.VectorSubcoreMesh(core_axis_name="c", subcore_axis_name="s")

    @functools.partial(
        pl.kernel,
        mesh=mesh,
        out_type=jax.ShapeDtypeStruct((L,), jnp.int32),
        scratch_types=[
            pltpu.VMEM((CH * 128,), jnp.int32),
            pltpu.VMEM((L,), jnp.int32),
            pltpu.VMEM((128,), jnp.int32),
        ],
    )
    def chase(bp_hbm, b0_hbm, path_hbm, bp_buf, path_buf, b0_buf):
        wid = lax.axis_index("c") * 16 + lax.axis_index("s")

        @pl.when(wid == 0)
        def _():
            lanes = lax.iota(jnp.int32, 16)
            pltpu.sync_copy(b0_hbm, b0_buf)
            tag0 = b0_buf[pl.ds(0, 16)][0]
            vec0 = jnp.where(lanes == 15, tag0, jnp.zeros((16,), jnp.int32))

            carry = (tag0, vec0)
            for ci in range(L // CH - 1, -1, -1):
                base = ci * CH
                n_steps = CH if ci > 0 else CH - 1
                pltpu.sync_copy(
                    bp_hbm.at[pl.ds(base * 128, CH * 128)], bp_buf
                )

                def step(k, carry):
                    tg, vec = carry
                    t = base + CH - 1 - k
                    nxt = bp_buf[pl.ds((CH - 1 - k) * 128 + tg, 16)][0]
                    vec = jnp.where(lanes == (t - 1) % 16, nxt, vec)

                    @pl.when((t - 1) % 16 == 0)
                    def _flush():
                        path_buf[pl.ds(t - 1, 16)] = vec

                    return nxt, vec

                carry = jax.lax.fori_loop(0, n_steps, step, carry)

            pltpu.sync_copy(path_buf, path_hbm)

    return chase


@jax.jit
def kernel(unary, trans, lengths):
    u = unary[:, 0, :]
    t_mat = trans[0]
    L, N = u.shape
    tt = t_mat.T
    tend = t_mat[_END][None, :]
    bp, b0, score = pl.pallas_call(
        _viterbi_fwd_body,
        out_shape=(
            jax.ShapeDtypeStruct((L, N), jnp.int32),
            jax.ShapeDtypeStruct((1, N), jnp.int32),
            jax.ShapeDtypeStruct((1, 1), jnp.float32),
        ),
    )(u, tt, tend)
    path = _make_chase(L)(bp.reshape(L * N), b0[0])
    return path[:, None], score[0, 0]

# --- scband reference (transcript-rebuilt; emitter-appended) ---
"""Pipeline reference for scband-viterbi-batch-size1-24361054503464 (READ-ONLY COPY).

The authoritative reference and input builder live on the scoring server;
editing this copy changes nothing except your own understanding.
"""

import jax, jax.numpy as jnp
import numpy as np

START_IDX = 126
END_IDX = 127


def setup_inputs(seed: int = 0) -> dict:
    key = jax.random.key(seed)
    k1, k2 = jax.random.split(key)
    unary = jax.random.normal(k1, (2048, 1, 128), dtype=jnp.float32)
    trans = jax.random.normal(k2, (1, 128, 128), dtype=jnp.float32)
    lengths = jnp.ones((1,), dtype=jnp.int32)
    return {"unary": unary, "trans": trans, "lengths": lengths}


def reference(unary, trans, lengths):
    u = unary[:, 0, :]          # [L, T]
    T = trans[0]                # [T, T]
    seq_len, num_tags = u.shape
    fill_value = -10000.0
    alphas0 = jnp.full((num_tags,), fill_value, dtype=u.dtype).at[START_IDX].set(0.0)

    def step(alphas, u_t):
        next_tag_var = alphas[None, :] + T          # [T, T]
        vit = jnp.max(next_tag_var, axis=1)         # [T]
        best = jnp.argmax(next_tag_var, axis=1)     # [T]
        return vit + u_t, best

    alphas_f, bp = jax.lax.scan(step, alphas0, u)   # bp: [L, T] == torch backpointers[1:]

    terminal = alphas_f + T[END_IDX, :]
    path_score = jnp.max(terminal)
    b0 = jnp.argmax(terminal)

    def back(tag, bp_row):
        nt = bp_row[tag]
        return nt, nt

    _, trace = jax.lax.scan(back, b0, bp, reverse=True)
    # torch path (after flip and [1:]) = [trace[1], ..., trace[L-1], b0]
    path = jnp.concatenate([trace[1:], b0[None]])
    return path[:, None], path_score

if __name__ == "__main__":
    import jax
    _d = setup_inputs()
    print(jax.jit(kernel)(*tuple(_d.values())))

</pallas_src>

<mosaic_0001>
#map = affine_map<(d0, d1) -> (0)>
module attributes {stable_mosaic.version = 14 : i64} {
  func.func @chase(%arg0: i32, %arg1: i32, %arg2: memref<262144xi32, #tpu.memory_space<hbm>>, %arg3: memref<128xi32, #tpu.memory_space<hbm>>, %arg4: memref<2048xi32, #tpu.memory_space<hbm>>, %arg5: memref<65536xi32, #tpu.memory_space<vmem>>, %arg6: memref<2048xi32, #tpu.memory_space<vmem>>, %arg7: memref<128xi32, #tpu.memory_space<vmem>>) attributes {dimension_semantics = [#tpu.dimension_semantics<core_parallel>, #tpu.dimension_semantics<subcore_parallel>], iteration_bounds = array<i64: 2, 16>, scalar_prefetch = 0 : i64, scratch_operands = 3 : i64, tpu.core_type = #tpu.core_type<sc_vector_subcore>, window_params = [{transform_indices = #map}, {transform_indices = #map}, {transform_indices = #map}]} {
    %mul3A = arith.constant 16 : i32
    %mul3A_0 = arith.muli %arg0, %mul3A : i32
    %add3A = arith.addi %mul3A_0, %arg1 : i32
    %eq3A = arith.constant 0 : i32
    %eq3A_1 = arith.cmpi eq, %add3A, %eq3A : i32
    %convert_element_type3A = arith.extui %eq3A_1 : i1 to i32
    %cond3A = arith.constant 0 : i32
    %cond3A_2 = arith.cmpi ne, %convert_element_type3A, %cond3A : i32
    scf.if %cond3A_2 {
      %iota3A = tpu.iota {dimensions = array<i32: 0>} : vector<16xi32>
      "tpu.region"() ({
        %run_scoped3A = tpu.sem_alloc : memref<!tpu.dma_semaphore, #tpu.memory_space<semaphore_mem>>
        tpu.enqueue_dma source(%arg3 : memref<128xi32, #tpu.memory_space<hbm>>) target(%arg7 : memref<128xi32, #tpu.memory_space<vmem>>) target_semaphore(%run_scoped3A : memref<!tpu.dma_semaphore, #tpu.memory_space<semaphore_mem>>)
        tpu.wait_dma2 semaphore(%run_scoped3A : memref<!tpu.dma_semaphore, #tpu.memory_space<semaphore_mem>>) src(%arg3 : memref<128xi32, #tpu.memory_space<hbm>>) dst(%arg7 : memref<128xi32, #tpu.memory_space<vmem>>)
        tpu.yield
      }) : () -> ()
      %get3A = arith.constant 0 : index
      %get3A_3 = tpu.vector_load %arg7[%get3A] {strides = array<i32>} : memref<128xi32, #tpu.memory_space<vmem>>, vector<16xi32>,
      %get3A_4 = vector.shape_cast %get3A_3 : vector<16xi32> to vector<16xi32>
      %slice3A = vector.extract_strided_slice %get3A_4 {offsets = [0], sizes = [1], strides = [1]} : vector<16xi32> to vector<1xi32>
      %squeeze3A = vector.extract %slice3A[0] : i32 from vector<1xi32>
      %eq3A_5 = arith.constant 15 : i32
      %eq3A_6 = vector.broadcast %eq3A_5 : i32 to vector<16xi32>
      %eq3A_7 = arith.cmpi eq, %iota3A, %eq3A_6 : vector<16xi32>
      %broadcast_in_dim3A = arith.constant 0 : i32
      %broadcast_in_dim3A_8 = vector.broadcast %broadcast_in_dim3A : i32 to vector<16xi32>
      %broadcast_in_dim3A_9 = vector.broadcast %squeeze3A : i32 to vector<16xi32>
      %select_n3A = arith.select %eq3A_7, %broadcast_in_dim3A_9, %broadcast_in_dim3A_8 : vector<16xi1>, vector<16xi32>
      "tpu.region"() ({
        %run_scoped3A = tpu.sem_alloc : memref<!tpu.dma_semaphore, #tpu.memory_space<semaphore_mem>>
        %dma_start3A = arith.constant 196608 : i32
        %dma_start3A_33 = tpu.memref_slice %arg2[%dma_start3A] : memref<262144xi32, #tpu.memory_space<hbm>> -> memref<65536xi32, #tpu.memory_space<hbm>>
        %dma_start3A_34 = arith.constant 196608 : i32
        %dma_start3A_35 = tpu.memref_slice %arg2[%dma_start3A_34] : memref<262144xi32, #tpu.memory_space<hbm>> -> memref<65536xi32, #tpu.memory_space<hbm>>
        tpu.enqueue_dma source(%dma_start3A_35 : memref<65536xi32, #tpu.memory_space<hbm>>) target(%arg5 : memref<65536xi32, #tpu.memory_space<vmem>>) target_semaphore(%run_scoped3A : memref<!tpu.dma_semaphore, #tpu.memory_space<semaphore_mem>>)
        %dma_wait3A = arith.constant 196608 : i32
        %dma_wait3A_36 = tpu.memref_slice %arg2[%dma_wait3A] : memref<262144xi32, #tpu.memory_space<hbm>> -> memref<65536xi32, #tpu.memory_space<hbm>>
        %dma_wait3A_37 = arith.constant 196608 : i32
        %dma_wait3A_38 = tpu.memref_slice %arg2[%dma_wait3A_37] : memref<262144xi32, #tpu.memory_space<hbm>> -> memref<65536xi32, #tpu.memory_space<hbm>>
        tpu.wait_dma2 semaphore(%run_scoped3A : memref<!tpu.dma_semaphore, #tpu.memory_space<semaphore_mem>>) src(%dma_wait3A_38 : memref<65536xi32, #tpu.memory_space<hbm>>) dst(%arg5 : memref<65536xi32, #tpu.memory_space<vmem>>)
        tpu.yield
      }) : () -> ()
      %scan3A = arith.constant 0 : i32
      %scan3A_10 = arith.constant 512 : i32
      %scan3A_11 = arith.addi %scan3A, %scan3A_10 : i32
      %scan3A_12 = arith.constant 1 : i32
      %scan3A_13:2 = scf.for %scan3A_33 = %scan3A to %scan3A_11 step %scan3A_12 iter_args(%scan3A_34 = %squeeze3A, %scan3A_35 = %select_n3A) -> (i32, vector<16xi32>)  : i32 {
        %sub3A = arith.constant 2047 : i32
        %sub3A_36 = arith.subi %sub3A, %scan3A_33 : i32
        %sub3A_37 = arith.constant 511 : i32
        %sub3A_38 = arith.subi %sub3A_37, %scan3A_33 : i32
        %mul3A_39 = arith.constant 128 : i32
        %mul3A_40 = arith.muli %sub3A_38, %mul3A_39 : i32
        %add3A_41 = arith.addi %mul3A_40, %scan3A_34 : i32
        %get3A_42 = arith.index_cast %add3A_41 : i32 to index
        %get3A_43 = tpu.vector_load %arg5[%get3A_42] {strides = array<i32>} : memref<65536xi32, #tpu.memory_space<vmem>>, vector<16xi32>,
        %get3A_44 = vector.shape_cast %get3A_43 : vector<16xi32> to vector<16xi32>
        %slice3A_45 = vector.extract_strided_slice %get3A_44 {offsets = [0], sizes = [1], strides = [1]} : vector<16xi32> to vector<1xi32>
        %squeeze3A_46 = vector.extract %slice3A_45[0] : i32 from vector<1xi32>
        %sub3A_47 = arith.constant 1 : i32
        %sub3A_48 = arith.subi %sub3A_36, %sub3A_47 : i32
        %jit3A = arith.constant 16 : i32
        %eq3A_49 = arith.constant 0 : i32
        %eq3A_50 = arith.cmpi eq, %jit3A, %eq3A_49 : i32
        %jit3A_51 = arith.constant 1 : i32
        %select_n3A_52 = arith.select %eq3A_50, %jit3A_51, %jit3A : i32
        %rem3A = arith.remsi %sub3A_48, %select_n3A_52 : i32
        %ne3A = arith.constant 0 : i32
        %ne3A_53 = arith.cmpi ne, %rem3A, %ne3A : i32
        %lt3A = arith.constant 0 : i32
        %lt3A_54 = arith.cmpi slt, %rem3A, %lt3A : i32
        %lt3A_55 = arith.constant 0 : i32
        %lt3A_56 = arith.cmpi slt, %select_n3A_52, %lt3A_55 : i32
        %ne3A_57 = arith.xori %lt3A_54, %lt3A_56 : i1
        %and3A = arith.andi %ne3A_57, %ne3A_53 : i1
        %add3A_58 = arith.addi %rem3A, %select_n3A_52 : i32
        %select_n3A_59 = arith.select %and3A, %add3A_58, %rem3A : i32
        %eq3A_60 = vector.broadcast %select_n3A_59 : i32 to vector<16xi32>
        %eq3A_61 = arith.cmpi eq, %iota3A, %eq3A_60 : vector<16xi32>
        %broadcast_in_dim3A_62 = vector.broadcast %squeeze3A_46 : i32 to vector<16xi32>
        %select_n3A_63 = arith.select %eq3A_61, %broadcast_in_dim3A_62, %scan3A_35 : vector<16xi1>, vector<16xi32>
        %sub3A_64 = arith.constant 1 : i32
        %sub3A_65 = arith.subi %sub3A_36, %sub3A_64 : i32
        %jit3A_66 = arith.constant 16 : i32
        %eq3A_67 = arith.constant 0 : i32
        %eq3A_68 = arith.cmpi eq, %jit3A_66, %eq3A_67 : i32
        %jit3A_69 = arith.constant 1 : i32
        %select_n3A_70 = arith.select %eq3A_68, %jit3A_69, %jit3A_66 : i32
        %rem3A_71 = arith.remsi %sub3A_65, %select_n3A_70 : i32
        %ne3A_72 = arith.constant 0 : i32
        %ne3A_73 = arith.cmpi ne, %rem3A_71, %ne3A_72 : i32
        %lt3A_74 = arith.constant 0 : i32
        %lt3A_75 = arith.cmpi slt, %rem3A_71, %lt3A_74 : i32
        %lt3A_76 = arith.constant 0 : i32
        %lt3A_77 = arith.cmpi slt, %select_n3A_70, %lt3A_76 : i32
        %ne3A_78 = arith.xori %lt3A_75, %lt3A_77 : i1
        %and3A_79 = arith.andi %ne3A_78, %ne3A_73 : i1
        %add3A_80 = arith.addi %rem3A_71, %select_n3A_70 : i32
        %select_n3A_81 = arith.select %and3A_79, %add3A_80, %rem3A_71 : i32
        %eq3A_82 = arith.constant 0 : i32
        %eq3A_83 = arith.cmpi eq, %select_n3A_81, %eq3A_82 : i32
        %convert_element_type3A_84 = arith.extui %eq3A_83 : i1 to i32
        %cond3A_85 = arith.constant 0 : i32
        %cond3A_86 = arith.cmpi ne, %convert_element_type3A_84, %cond3A_85 : i32
        scf.if %cond3A_86 {
          %sub3A_87 = arith.constant 1 : i32
          %sub3A_88 = arith.subi %sub3A_36, %sub3A_87 : i32
          %swap3A = arith.index_cast %sub3A_88 : i32 to index
          %swap3A_89 = tpu.vector_load %arg6[%swap3A] {strides = array<i32>} : memref<2048xi32, #tpu.memory_space<vmem>>, vector<16xi32>,
          %swap3A_90 = vector.shape_cast %swap3A_89 : vector<16xi32> to vector<16xi32>
          %swap3A_91 = vector.shape_cast %select_n3A_63 : vector<16xi32> to vector<16xi32>
          tpu.vector_store %arg6[%swap3A], %swap3A_91 {strides = array<i32>} : memref<2048xi32, #tpu.memory_space<vmem>>, vector<16xi32>,
        } else {
        }
        scf.yield %squeeze3A_46, %select_n3A_63 : i32, vector<16xi32>
      }
      %scan3A_14 = arith.constant 512 : i32
      "tpu.region"() ({
        %run_scoped3A = tpu.sem_alloc : memref<!tpu.dma_semaphore, #tpu.memory_space<semaphore_mem>>
        %dma_start3A = arith.constant 131072 : i32
        %dma_start3A_33 = tpu.memref_slice %arg2[%dma_start3A] : memref<262144xi32, #tpu.memory_space<hbm>> -> memref<65536xi32, #tpu.memory_space<hbm>>
        %dma_start3A_34 = arith.constant 131072 : i32
        %dma_start3A_35 = tpu.memref_slice %arg2[%dma_start3A_34] : memref<262144xi32, #tpu.memory_space<hbm>> -> memref<65536xi32, #tpu.memory_space<hbm>>
        tpu.enqueue_dma source(%dma_start3A_35 : memref<65536xi32, #tpu.memory_space<hbm>>) target(%arg5 : memref<65536xi32, #tpu.memory_space<vmem>>) target_semaphore(%run_scoped3A : memref<!tpu.dma_semaphore, #tpu.memory_space<semaphore_mem>>)
        %dma_wait3A = arith.constant 131072 : i32
        %dma_wait3A_36 = tpu.memref_slice %arg2[%dma_wait3A] : memref<262144xi32, #tpu.memory_space<hbm>> -> memref<65536xi32, #tpu.memory_space<hbm>>
        %dma_wait3A_37 = arith.constant 131072 : i32
        %dma_wait3A_38 = tpu.memref_slice %arg2[%dma_wait3A_37] : memref<262144xi32, #tpu.memory_space<hbm>> -> memref<65536xi32, #tpu.memory_space<hbm>>
        tpu.wait_dma2 semaphore(%run_scoped3A : memref<!tpu.dma_semaphore, #tpu.memory_space<semaphore_mem>>) src(%dma_wait3A_38 : memref<65536xi32, #tpu.memory_space<hbm>>) dst(%arg5 : memref<65536xi32, #tpu.memory_space<vmem>>)
        tpu.yield
      }) : () -> ()
      %scan3A_15 = arith.constant 0 : i32
      %scan3A_16 = arith.constant 512 : i32
      %scan3A_17 = arith.addi %scan3A_15, %scan3A_16 : i32
      %scan3A_18 = arith.constant 1 : i32
      %scan3A_19:2 = scf.for %scan3A_33 = %scan3A_15 to %scan3A_17 step %scan3A_18 iter_args(%scan3A_34 = %scan3A_13#0, %scan3A_35 = %scan3A_13#1) -> (i32, vector<16xi32>)  : i32 {
        %sub3A = arith.constant 1535 : i32
        %sub3A_36 = arith.subi %sub3A, %scan3A_33 : i32
        %sub3A_37 = arith.constant 511 : i32
        %sub3A_38 = arith.subi %sub3A_37, %scan3A_33 : i32
        %mul3A_39 = arith.constant 128 : i32
        %mul3A_40 = arith.muli %sub3A_38, %mul3A_39 : i32
        %add3A_41 = arith.addi %mul3A_40, %scan3A_34 : i32
        %get3A_42 = arith.index_cast %add3A_41 : i32 to index
        %get3A_43 = tpu.vector_load %arg5[%get3A_42] {strides = array<i32>} : memref<65536xi32, #tpu.memory_space<vmem>>, vector<16xi32>,
        %get3A_44 = vector.shape_cast %get3A_43 : vector<16xi32> to vector<16xi32>
        %slice3A_45 = vector.extract_strided_slice %get3A_44 {offsets = [0], sizes = [1], strides = [1]} : vector<16xi32> to vector<1xi32>
        %squeeze3A_46 = vector.extract %slice3A_45[0] : i32 from vector<1xi32>
        %sub3A_47 = arith.constant 1 : i32
        %sub3A_48 = arith.subi %sub3A_36, %sub3A_47 : i32
        %jit3A = arith.constant 16 : i32
        %eq3A_49 = arith.constant 0 : i32
        %eq3A_50 = arith.cmpi eq, %jit3A, %eq3A_49 : i32
        %jit3A_51 = arith.constant 1 : i32
        %select_n3A_52 = arith.select %eq3A_50, %jit3A_51, %jit3A : i32
        %rem3A = arith.remsi %sub3A_48, %select_n3A_52 : i32
        %ne3A = arith.constant 0 : i32
        %ne3A_53 = arith.cmpi ne, %rem3A, %ne3A : i32
        %lt3A = arith.constant 0 : i32
        %lt3A_54 = arith.cmpi slt, %rem3A, %lt3A : i32
        %lt3A_55 = arith.constant 0 : i32
        %lt3A_56 = arith.cmpi slt, %select_n3A_52, %lt3A_55 : i32
        %ne3A_57 = arith.xori %lt3A_54, %lt3A_56 : i1
        %and3A = arith.andi %ne3A_57, %ne3A_53 : i1
        %add3A_58 = arith.addi %rem3A, %select_n3A_52 : i32
        %select_n3A_59 = arith.select %and3A, %add3A_58, %rem3A : i32
        %eq3A_60 = vector.broadcast %select_n3A_59 : i32 to vector<16xi32>
        %eq3A_61 = arith.cmpi eq, %iota3A, %eq3A_60 : vector<16xi32>
        %broadcast_in_dim3A_62 = vector.broadcast %squeeze3A_46 : i32 to vector<16xi32>
        %select_n3A_63 = arith.select %eq3A_61, %broadcast_in_dim3A_62, %scan3A_35 : vector<16xi1>, vector<16xi32>
        %sub3A_64 = arith.constant 1 : i32
        %sub3A_65 = arith.subi %sub3A_36, %sub3A_64 : i32
        %jit3A_66 = arith.constant 16 : i32
        %eq3A_67 = arith.constant 0 : i32
        %eq3A_68 = arith.cmpi eq, %jit3A_66, %eq3A_67 : i32
        %jit3A_69 = arith.constant 1 : i32
        %select_n3A_70 = arith.select %eq3A_68, %jit3A_69, %jit3A_66 : i32
        %rem3A_71 = arith.remsi %sub3A_65, %select_n3A_70 : i32
        %ne3A_72 = arith.constant 0 : i32
        %ne3A_73 = arith.cmpi ne, %rem3A_71, %ne3A_72 : i32
        %lt3A_74 = arith.constant 0 : i32
        %lt3A_75 = arith.cmpi slt, %rem3A_71, %lt3A_74 : i32
        %lt3A_76 = arith.constant 0 : i32
        %lt3A_77 = arith.cmpi slt, %select_n3A_70, %lt3A_76 : i32
        %ne3A_78 = arith.xori %lt3A_75, %lt3A_77 : i1
        %and3A_79 = arith.andi %ne3A_78, %ne3A_73 : i1
        %add3A_80 = arith.addi %rem3A_71, %select_n3A_70 : i32
        %select_n3A_81 = arith.select %and3A_79, %add3A_80, %rem3A_71 : i32
        %eq3A_82 = arith.constant 0 : i32
        %eq3A_83 = arith.cmpi eq, %select_n3A_81, %eq3A_82 : i32
        %convert_element_type3A_84 = arith.extui %eq3A_83 : i1 to i32
        %cond3A_85 = arith.constant 0 : i32
        %cond3A_86 = arith.cmpi ne, %convert_element_type3A_84, %cond3A_85 : i32
        scf.if %cond3A_86 {
          %sub3A_87 = arith.constant 1 : i32
          %sub3A_88 = arith.subi %sub3A_36, %sub3A_87 : i32
          %swap3A = arith.index_cast %sub3A_88 : i32 to index
          %swap3A_89 = tpu.vector_load %arg6[%swap3A] {strides = array<i32>} : memref<2048xi32, #tpu.memory_space<vmem>>, vector<16xi32>,
          %swap3A_90 = vector.shape_cast %swap3A_89 : vector<16xi32> to vector<16xi32>
          %swap3A_91 = vector.shape_cast %select_n3A_63 : vector<16xi32> to vector<16xi32>
          tpu.vector_store %arg6[%swap3A], %swap3A_91 {strides = array<i32>} : memref<2048xi32, #tpu.memory_space<vmem>>, vector<16xi32>,
        } else {
        }
        scf.yield %squeeze3A_46, %select_n3A_63 : i32, vector<16xi32>
      }
      %scan3A_20 = arith.constant 512 : i32
      "tpu.region"() ({
        %run_scoped3A = tpu.sem_alloc : memref<!tpu.dma_semaphore, #tpu.memory_space<semaphore_mem>>
        %dma_start3A = arith.constant 65536 : i32
        %dma_start3A_33 = tpu.memref_slice %arg2[%dma_start3A] : memref<262144xi32, #tpu.memory_space<hbm>> -> memref<65536xi32, #tpu.memory_space<hbm>>
        %dma_start3A_34 = arith.constant 65536 : i32
        %dma_start3A_35 = tpu.memref_slice %arg2[%dma_start3A_34] : memref<262144xi32, #tpu.memory_space<hbm>> -> memref<65536xi32, #tpu.memory_space<hbm>>
        tpu.enqueue_dma source(%dma_start3A_35 : memref<65536xi32, #tpu.memory_space<hbm>>) target(%arg5 : memref<65536xi32, #tpu.memory_space<vmem>>) target_semaphore(%run_scoped3A : memref<!tpu.dma_semaphore, #tpu.memory_space<semaphore_mem>>)
        %dma_wait3A = arith.constant 65536 : i32
        %dma_wait3A_36 = tpu.memref_slice %arg2[%dma_wait3A] : memref<262144xi32, #tpu.memory_space<hbm>> -> memref<65536xi32, #tpu.memory_space<hbm>>
        %dma_wait3A_37 = arith.constant 65536 : i32
        %dma_wait3A_38 = tpu.memref_slice %arg2[%dma_wait3A_37] : memref<262144xi32, #tpu.memory_space<hbm>> -> memref<65536xi32, #tpu.memory_space<hbm>>
        tpu.wait_dma2 semaphore(%run_scoped3A : memref<!tpu.dma_semaphore, #tpu.memory_space<semaphore_mem>>) src(%dma_wait3A_38 : memref<65536xi32, #tpu.memory_space<hbm>>) dst(%arg5 : memref<65536xi32, #tpu.memory_space<vmem>>)
        tpu.yield
      }) : () -> ()
      %scan3A_21 = arith.constant 0 : i32
      %scan3A_22 = arith.constant 512 : i32
      %scan3A_23 = arith.addi %scan3A_21, %scan3A_22 : i32
      %scan3A_24 = arith.constant 1 : i32
      %scan3A_25:2 = scf.for %scan3A_33 = %scan3A_21 to %scan3A_23 step %scan3A_24 iter_args(%scan3A_34 = %scan3A_19#0, %scan3A_35 = %scan3A_19#1) -> (i32, vector<16xi32>)  : i32 {
        %sub3A = arith.constant 1023 : i32
        %sub3A_36 = arith.subi %sub3A, %scan3A_33 : i32
        %sub3A_37 = arith.constant 511 : i32
        %sub3A_38 = arith.subi %sub3A_37, %scan3A_33 : i32
        %mul3A_39 = arith.constant 128 : i32
        %mul3A_40 = arith.muli %sub3A_38, %mul3A_39 : i32
        %add3A_41 = arith.addi %mul3A_40, %scan3A_34 : i32
        %get3A_42 = arith.index_cast %add3A_41 : i32 to index
        %get3A_43 = tpu.vector_load %arg5[%get3A_42] {strides = array<i32>} : memref<65536xi32, #tpu.memory_space<vmem>>, vector<16xi32>,
        %get3A_44 = vector.shape_cast %get3A_43 : vector<16xi32> to vector<16xi32>
        %slice3A_45 = vector.extract_strided_slice %get3A_44 {offsets = [0], sizes = [1], strides = [1]} : vector<16xi32> to vector<1xi32>
        %squeeze3A_46 = vector.extract %slice3A_45[0] : i32 from vector<1xi32>
        %sub3A_47 = arith.constant 1 : i32
        %sub3A_48 = arith.subi %sub3A_36, %sub3A_47 : i32
        %jit3A = arith.constant 16 : i32
        %eq3A_49 = arith.constant 0 : i32
        %eq3A_50 = arith.cmpi eq, %jit3A, %eq3A_49 : i32
        %jit3A_51 = arith.constant 1 : i32
        %select_n3A_52 = arith.select %eq3A_50, %jit3A_51, %jit3A : i32
        %rem3A = arith.remsi %sub3A_48, %select_n3A_52 : i32
        %ne3A = arith.constant 0 : i32
        %ne3A_53 = arith.cmpi ne, %rem3A, %ne3A : i32
        %lt3A = arith.constant 0 : i32
        %lt3A_54 = arith.cmpi slt, %rem3A, %lt3A : i32
        %lt3A_55 = arith.constant 0 : i32
        %lt3A_56 = arith.cmpi slt, %select_n3A_52, %lt3A_55 : i32
        %ne3A_57 = arith.xori %lt3A_54, %lt3A_56 : i1
        %and3A = arith.andi %ne3A_57, %ne3A_53 : i1
        %add3A_58 = arith.addi %rem3A, %select_n3A_52 : i32
        %select_n3A_59 = arith.select %and3A, %add3A_58, %rem3A : i32
        %eq3A_60 = vector.broadcast %select_n3A_59 : i32 to vector<16xi32>
        %eq3A_61 = arith.cmpi eq, %iota3A, %eq3A_60 : vector<16xi32>
        %broadcast_in_dim3A_62 = vector.broadcast %squeeze3A_46 : i32 to vector<16xi32>
        %select_n3A_63 = arith.select %eq3A_61, %broadcast_in_dim3A_62, %scan3A_35 : vector<16xi1>, vector<16xi32>
        %sub3A_64 = arith.constant 1 : i32
        %sub3A_65 = arith.subi %sub3A_36, %sub3A_64 : i32
        %jit3A_66 = arith.constant 16 : i32
        %eq3A_67 = arith.constant 0 : i32
        %eq3A_68 = arith.cmpi eq, %jit3A_66, %eq3A_67 : i32
        %jit3A_69 = arith.constant 1 : i32
        %select_n3A_70 = arith.select %eq3A_68, %jit3A_69, %jit3A_66 : i32
        %rem3A_71 = arith.remsi %sub3A_65, %select_n3A_70 : i32
        %ne3A_72 = arith.constant 0 : i32
        %ne3A_73 = arith.cmpi ne, %rem3A_71, %ne3A_72 : i32
        %lt3A_74 = arith.constant 0 : i32
        %lt3A_75 = arith.cmpi slt, %rem3A_71, %lt3A_74 : i32
        %lt3A_76 = arith.constant 0 : i32
        %lt3A_77 = arith.cmpi slt, %select_n3A_70, %lt3A_76 : i32
        %ne3A_78 = arith.xori %lt3A_75, %lt3A_77 : i1
        %and3A_79 = arith.andi %ne3A_78, %ne3A_73 : i1
        %add3A_80 = arith.addi %rem3A_71, %select_n3A_70 : i32
        %select_n3A_81 = arith.select %and3A_79, %add3A_80, %rem3A_71 : i32
        %eq3A_82 = arith.constant 0 : i32
        %eq3A_83 = arith.cmpi eq, %select_n3A_81, %eq3A_82 : i32
        %convert_element_type3A_84 = arith.extui %eq3A_83 : i1 to i32
        %cond3A_85 = arith.constant 0 : i32
        %cond3A_86 = arith.cmpi ne, %convert_element_type3A_84, %cond3A_85 : i32
        scf.if %cond3A_86 {
          %sub3A_87 = arith.constant 1 : i32
          %sub3A_88 = arith.subi %sub3A_36, %sub3A_87 : i32
          %swap3A = arith.index_cast %sub3A_88 : i32 to index
          %swap3A_89 = tpu.vector_load %arg6[%swap3A] {strides = array<i32>} : memref<2048xi32, #tpu.memory_space<vmem>>, vector<16xi32>,
          %swap3A_90 = vector.shape_cast %swap3A_89 : vector<16xi32> to vector<16xi32>
          %swap3A_91 = vector.shape_cast %select_n3A_63 : vector<16xi32> to vector<16xi32>
          tpu.vector_store %arg6[%swap3A], %swap3A_91 {strides = array<i32>} : memref<2048xi32, #tpu.memory_space<vmem>>, vector<16xi32>,
        } else {
        }
        scf.yield %squeeze3A_46, %select_n3A_63 : i32, vector<16xi32>
      }
      %scan3A_26 = arith.constant 512 : i32
      "tpu.region"() ({
        %run_scoped3A = tpu.sem_alloc : memref<!tpu.dma_semaphore, #tpu.memory_space<semaphore_mem>>
        %dma_start3A = arith.constant 0 : i32
        %dma_start3A_33 = tpu.memref_slice %arg2[%dma_start3A] : memref<262144xi32, #tpu.memory_space<hbm>> -> memref<65536xi32, #tpu.memory_space<hbm>>
        %dma_start3A_34 = arith.constant 0 : i32
        %dma_start3A_35 = tpu.memref_slice %arg2[%dma_start3A_34] : memref<262144xi32, #tpu.memory_space<hbm>> -> memref<65536xi32, #tpu.memory_space<hbm>>
        tpu.enqueue_dma source(%dma_start3A_35 : memref<65536xi32, #tpu.memory_space<hbm>>) target(%arg5 : memref<65536xi32, #tpu.memory_space<vmem>>) target_semaphore(%run_scoped3A : memref<!tpu.dma_semaphore, #tpu.memory_space<semaphore_mem>>)
        %dma_wait3A = arith.constant 0 : i32
        %dma_wait3A_36 = tpu.memref_slice %arg2[%dma_wait3A] : memref<262144xi32, #tpu.memory_space<hbm>> -> memref<65536xi32, #tpu.memory_space<hbm>>
        %dma_wait3A_37 = arith.constant 0 : i32
        %dma_wait3A_38 = tpu.memref_slice %arg2[%dma_wait3A_37] : memref<262144xi32, #tpu.memory_space<hbm>> -> memref<65536xi32, #tpu.memory_space<hbm>>
        tpu.wait_dma2 semaphore(%run_scoped3A : memref<!tpu.dma_semaphore, #tpu.memory_space<semaphore_mem>>) src(%dma_wait3A_38 : memref<65536xi32, #tpu.memory_space<hbm>>) dst(%arg5 : memref<65536xi32, #tpu.memory_space<vmem>>)
        tpu.yield
      }) : () -> ()
      %scan3A_27 = arith.constant 0 : i32
      %scan3A_28 = arith.constant 511 : i32
      %scan3A_29 = arith.addi %scan3A_27, %scan3A_28 : i32
      %scan3A_30 = arith.constant 1 : i32
      %scan3A_31:2 = scf.for %scan3A_33 = %scan3A_27 to %scan3A_29 step %scan3A_30 iter_args(%scan3A_34 = %scan3A_25#0, %scan3A_35 = %scan3A_25#1) -> (i32, vector<16xi32>)  : i32 {
        %sub3A = arith.constant 511 : i32
        %sub3A_36 = arith.subi %sub3A, %scan3A_33 : i32
        %sub3A_37 = arith.constant 511 : i32
        %sub3A_38 = arith.subi %sub3A_37, %scan3A_33 : i32
        %mul3A_39 = arith.constant 128 : i32
        %mul3A_40 = arith.muli %sub3A_38, %mul3A_39 : i32
        %add3A_41 = arith.addi %mul3A_40, %scan3A_34 : i32
        %get3A_42 = arith.index_cast %add3A_41 : i32 to index
        %get3A_43 = tpu.vector_load %arg5[%get3A_42] {strides = array<i32>} : memref<65536xi32, #tpu.memory_space<vmem>>, vector<16xi32>,
        %get3A_44 = vector.shape_cast %get3A_43 : vector<16xi32> to vector<16xi32>
        %slice3A_45 = vector.extract_strided_slice %get3A_44 {offsets = [0], sizes = [1], strides = [1]} : vector<16xi32> to vector<1xi32>
        %squeeze3A_46 = vector.extract %slice3A_45[0] : i32 from vector<1xi32>
        %sub3A_47 = arith.constant 1 : i32
        %sub3A_48 = arith.subi %sub3A_36, %sub3A_47 : i32
        %jit3A = arith.constant 16 : i32
        %eq3A_49 = arith.constant 0 : i32
        %eq3A_50 = arith.cmpi eq, %jit3A, %eq3A_49 : i32
        %jit3A_51 = arith.constant 1 : i32
        %select_n3A_52 = arith.select %eq3A_50, %jit3A_51, %jit3A : i32
        %rem3A = arith.remsi %sub3A_48, %select_n3A_52 : i32
        %ne3A = arith.constant 0 : i32
        %ne3A_53 = arith.cmpi ne, %rem3A, %ne3A : i32
        %lt3A = arith.constant 0 : i32
        %lt3A_54 = arith.cmpi slt, %rem3A, %lt3A : i32
        %lt3A_55 = arith.constant 0 : i32
        %lt3A_56 = arith.cmpi slt, %select_n3A_52, %lt3A_55 : i32
        %ne3A_57 = arith.xori %lt3A_54, %lt3A_56 : i1
        %and3A = arith.andi %ne3A_57, %ne3A_53 : i1
        %add3A_58 = arith.addi %rem3A, %select_n3A_52 : i32
        %select_n3A_59 = arith.select %and3A, %add3A_58, %rem3A : i32
        %eq3A_60 = vector.broadcast %select_n3A_59 : i32 to vector<16xi32>
        %eq3A_61 = arith.cmpi eq, %iota3A, %eq3A_60 : vector<16xi32>
        %broadcast_in_dim3A_62 = vector.broadcast %squeeze3A_46 : i32 to vector<16xi32>
        %select_n3A_63 = arith.select %eq3A_61, %broadcast_in_dim3A_62, %scan3A_35 : vector<16xi1>, vector<16xi32>
        %sub3A_64 = arith.constant 1 : i32
        %sub3A_65 = arith.subi %sub3A_36, %sub3A_64 : i32
        %jit3A_66 = arith.constant 16 : i32
        %eq3A_67 = arith.constant 0 : i32
        %eq3A_68 = arith.cmpi eq, %jit3A_66, %eq3A_67 : i32
        %jit3A_69 = arith.constant 1 : i32
        %select_n3A_70 = arith.select %eq3A_68, %jit3A_69, %jit3A_66 : i32
        %rem3A_71 = arith.remsi %sub3A_65, %select_n3A_70 : i32
        %ne3A_72 = arith.constant 0 : i32
        %ne3A_73 = arith.cmpi ne, %rem3A_71, %ne3A_72 : i32
        %lt3A_74 = arith.constant 0 : i32
        %lt3A_75 = arith.cmpi slt, %rem3A_71, %lt3A_74 : i32
        %lt3A_76 = arith.constant 0 : i32
        %lt3A_77 = arith.cmpi slt, %select_n3A_70, %lt3A_76 : i32
        %ne3A_78 = arith.xori %lt3A_75, %lt3A_77 : i1
        %and3A_79 = arith.andi %ne3A_78, %ne3A_73 : i1
        %add3A_80 = arith.addi %rem3A_71, %select_n3A_70 : i32
        %select_n3A_81 = arith.select %and3A_79, %add3A_80, %rem3A_71 : i32
        %eq3A_82 = arith.constant 0 : i32
        %eq3A_83 = arith.cmpi eq, %select_n3A_81, %eq3A_82 : i32
        %convert_element_type3A_84 = arith.extui %eq3A_83 : i1 to i32
        %cond3A_85 = arith.constant 0 : i32
        %cond3A_86 = arith.cmpi ne, %convert_element_type3A_84, %cond3A_85 : i32
        scf.if %cond3A_86 {
          %sub3A_87 = arith.constant 1 : i32
          %sub3A_88 = arith.subi %sub3A_36, %sub3A_87 : i32
          %swap3A = arith.index_cast %sub3A_88 : i32 to index
          %swap3A_89 = tpu.vector_load %arg6[%swap3A] {strides = array<i32>} : memref<2048xi32, #tpu.memory_space<vmem>>, vector<16xi32>,
          %swap3A_90 = vector.shape_cast %swap3A_89 : vector<16xi32> to vector<16xi32>
          %swap3A_91 = vector.shape_cast %select_n3A_63 : vector<16xi32> to vector<16xi32>
          tpu.vector_store %arg6[%swap3A], %swap3A_91 {strides = array<i32>} : memref<2048xi32, #tpu.memory_space<vmem>>, vector<16xi32>,
        } else {
        }
        scf.yield %squeeze3A_46, %select_n3A_63 : i32, vector<16xi32>
      }
      %scan3A_32 = arith.constant 511 : i32
      "tpu.region"() ({
        %run_scoped3A = tpu.sem_alloc : memref<!tpu.dma_semaphore, #tpu.memory_space<semaphore_mem>>
        tpu.enqueue_dma source(%arg6 : memref<2048xi32, #tpu.memory_space<vmem>>) target(%arg4 : memref<2048xi32, #tpu.memory_space<hbm>>) target_semaphore(%run_scoped3A : memref<!tpu.dma_semaphore, #tpu.memory_space<semaphore_mem>>)
        tpu.wait_dma2 semaphore(%run_scoped3A : memref<!tpu.dma_semaphore, #tpu.memory_space<semaphore_mem>>) src(%arg6 : memref<2048xi32, #tpu.memory_space<vmem>>) dst(%arg4 : memref<2048xi32, #tpu.memory_space<hbm>>)
        tpu.yield
      }) : () -> ()
    } else {
    }
    return
  }
}

module attributes {stable_mosaic.version = 14 : i64} {
  func.func @_viterbi_fwd_body(%arg0: memref<2048x128xf32, #tpu.memory_space<vmem>>, %arg1: memref<128x128xf32, #tpu.memory_space<vmem>>, %arg2: memref<1x128xf32, #tpu.memory_space<vmem>>, %arg3: memref<2048x128xi32, #tpu.memory_space<vmem>>, %arg4: memref<1x128xi32, #tpu.memory_space<vmem>>, %arg5: memref<1x1xf32, #tpu.memory_space<vmem>>) attributes {dimension_semantics = [], scalar_prefetch = 0 : i64, scratch_operands = 0 : i64, tpu.core_type = #tpu.core_type<tc>} {
    %iota3A = tpu.iota {dimensions = array<i32: 0>} : vector<128x1xi32>
    %iota3A_0 = tpu.iota {dimensions = array<i32: 0>} : vector<128x128xi32>
    %eq3A = arith.constant 126 : i32
    %eq3A_1 = vector.broadcast %eq3A : i32 to vector<128x1xi32>
    %eq3A_2 = arith.cmpi eq, %iota3A, %eq3A_1 : vector<128x1xi32>
    %jit3A = arith.constant 0.000000e+00 : f32
    %jit3A_3 = arith.constant -1.000000e+04 : f32
    %broadcast_in_dim3A = vector.broadcast %jit3A : f32 to vector<128x1xf32>
    %broadcast_in_dim3A_4 = vector.broadcast %jit3A_3 : f32 to vector<128x1xf32>
    %select_n3A = arith.select %eq3A_2, %broadcast_in_dim3A, %broadcast_in_dim3A_4 : vector<128x1xi1>, vector<128x1xf32>
    %scan3A = arith.constant 0 : i32
    %scan3A_5 = arith.constant 2048 : i32
    %scan3A_6 = arith.addi %scan3A, %scan3A_5 : i32
    %scan3A_7 = arith.constant 1 : i32
    %scan3A_8 = scf.for %scan3A_35 = %scan3A to %scan3A_6 step %scan3A_7 iter_args(%scan3A_36 = %select_n3A) -> (vector<128x1xf32>)  : i32 {
      %get3A_37 = arith.constant 0 : index
      %get3A_38 = arith.constant 0 : index
      %get3A_39 = vector.load %arg1[%get3A_37, %get3A_38] : memref<128x128xf32, #tpu.memory_space<vmem>>, vector<128x128xf32>
      %add3A_40 = vector.broadcast %scan3A_36 : vector<128x1xf32> to vector<128x128xf32>
      %add3A_41 = arith.addf %get3A_39, %add3A_40 : vector<128x128xf32>
      %reduce_max3A_42 = arith.constant dense<0xFF800000> : vector<128xf32>
      %reduce_max3A_43 = vector.multi_reduction <maximumf>, %add3A_41, %reduce_max3A_42 [0] : vector<128x128xf32> to vector<128xf32>
      %broadcast_in_dim3A_44 = vector.shape_cast %reduce_max3A_43 : vector<128xf32> to vector<1x128xf32>
      %eq3A_45 = vector.broadcast %broadcast_in_dim3A_44 : vector<1x128xf32> to vector<128x128xf32>
      %eq3A_46 = arith.cmpf oeq, %add3A_41, %eq3A_45 : vector<128x128xf32>
      %jit3A_47 = arith.constant 128 : i32
      %broadcast_in_dim3A_48 = vector.broadcast %jit3A_47 : i32 to vector<128x128xi32>
      %select_n3A_49 = arith.select %eq3A_46, %iota3A_0, %broadcast_in_dim3A_48 : vector<128x128xi1>, vector<128x128xi32>
      %reduce_min3A_50 = arith.constant dense<2147483647> : vector<128xi32>
      %reduce_min3A_51 = vector.multi_reduction <minsi>, %select_n3A_49, %reduce_min3A_50 [0] : vector<128x128xi32> to vector<128xi32>
      %broadcast_in_dim3A_52 = vector.shape_cast %reduce_min3A_51 : vector<128xi32> to vector<1x128xi32>
      %swap3A_53 = arith.index_cast %scan3A_35 : i32 to index
      %swap3A_54 = arith.constant 0 : index
      %swap3A_55 = vector.load %arg3[%swap3A_53, %swap3A_54] : memref<2048x128xi32, #tpu.memory_space<vmem>>, vector<1x128xi32>
      tpu.vector_store %arg3[%swap3A_53, %swap3A_54], %broadcast_in_dim3A_52 {strides = array<i32>} : memref<2048x128xi32, #tpu.memory_space<vmem>>, vector<1x128xi32>,
      %get3A_56 = arith.index_cast %scan3A_35 : i32 to index
      %get3A_57 = arith.constant 0 : index
      %get3A_58 = vector.load %arg0[%get3A_56, %get3A_57] : memref<2048x128xf32, #tpu.memory_space<vmem>>, vector<1x128xf32>
      %add3A_59 = arith.addf %broadcast_in_dim3A_44, %get3A_58 : vector<1x128xf32>
      %broadcast_in_dim3A_60 = vector.shape_cast %add3A_59 : vector<1x128xf32> to vector<1x128xf32>
      %broadcast_in_dim3A_61 = vector.broadcast %broadcast_in_dim3A_60 : vector<1x128xf32> to vector<8x128xf32>
      %transpose3A_62 = tpu.transpose %broadcast_in_dim3A_61, [1, 0] : vector<8x128xf32> -> vector<128x8xf32>
      %slice3A_63 = vector.extract_strided_slice %transpose3A_62 {offsets = [0, 0], sizes = [128, 1], strides = [1, 1]} : vector<128x8xf32> to vector<128x1xf32>
      scf.yield %slice3A_63 : vector<128x1xf32>
    }
    %scan3A_9 = arith.constant 2048 : i32
    %iota3A_10 = tpu.iota {dimensions = array<i32: 1>} : vector<1x128xi32>
    %broadcast_in_dim3A_11 = vector.shape_cast %scan3A_8 : vector<128x1xf32> to vector<128x1xf32>
    %broadcast_in_dim3A_12 = vector.broadcast %broadcast_in_dim3A_11 : vector<128x1xf32> to vector<128x8xf32>
    %transpose3A = tpu.transpose %broadcast_in_dim3A_12, [1, 0] : vector<128x8xf32> -> vector<8x128xf32>
    %slice3A = vector.extract_strided_slice %transpose3A {offsets = [0, 0], sizes = [1, 128], strides = [1, 1]} : vector<8x128xf32> to vector<1x128xf32>
    %get3A = arith.constant 0 : index
    %get3A_13 = arith.constant 0 : index
    %get3A_14 = vector.load %arg2[%get3A, %get3A_13] : memref<1x128xf32, #tpu.memory_space<vmem>>, vector<1x128xf32>
    %add3A = arith.addf %slice3A, %get3A_14 : vector<1x128xf32>
    %reduce_max3A = vector.shape_cast %add3A : vector<1x128xf32> to vector<1x1x128xf32>
    %reduce_max3A_15 = arith.constant dense<0xFF800000> : vector<1xf32>
    %reduce_max3A_16 = vector.multi_reduction <maximumf>, %reduce_max3A, %reduce_max3A_15 [1, 2] : vector<1x1x128xf32> to vector<1xf32>
    %reduce_max3A_17 = vector.shape_cast %reduce_max3A_16 : vector<1xf32> to vector<1x1x1xf32>
    %reduce_max3A_18 = vector.extract %reduce_max3A_17[0, 0, 0] : f32 from vector<1x1x1xf32>
    %eq3A_19 = vector.broadcast %reduce_max3A_18 : f32 to vector<1x128xf32>
    %eq3A_20 = arith.cmpf oeq, %add3A, %eq3A_19 : vector<1x128xf32>
    %jit3A_21 = arith.constant 128 : i32
    %broadcast_in_dim3A_22 = vector.broadcast %jit3A_21 : i32 to vector<1x128xi32>
    %select_n3A_23 = arith.select %eq3A_20, %iota3A_10, %broadcast_in_dim3A_22 : vector<1x128xi1>, vector<1x128xi32>
    %reduce_min3A = vector.shape_cast %select_n3A_23 : vector<1x128xi32> to vector<1x1x128xi32>
    %reduce_min3A_24 = arith.constant dense<2147483647> : vector<1xi32>
    %reduce_min3A_25 = vector.multi_reduction <minsi>, %reduce_min3A, %reduce_min3A_24 [1, 2] : vector<1x1x128xi32> to vector<1xi32>
    %reduce_min3A_26 = vector.shape_cast %reduce_min3A_25 : vector<1xi32> to vector<1x1x1xi32>
    %reduce_min3A_27 = vector.extract %reduce_min3A_26[0, 0, 0] : i32 from vector<1x1x1xi32>
    %broadcast_in_dim3A_28 = vector.broadcast %reduce_max3A_18 : f32 to vector<1x1xf32>
    %swap3A = arith.constant 0 : index
    %swap3A_29 = arith.constant 0 : index
    %swap3A_30 = vector.load %arg5[%swap3A, %swap3A_29] : memref<1x1xf32, #tpu.memory_space<vmem>>, vector<1x1xf32>
    tpu.vector_store %arg5[%swap3A, %swap3A_29], %broadcast_in_dim3A_28 {strides = array<i32>} : memref<1x1xf32, #tpu.memory_space<vmem>>, vector<1x1xf32>,
    %broadcast_in_dim3A_31 = vector.broadcast %reduce_min3A_27 : i32 to vector<1x128xi32>
    %swap3A_32 = arith.constant 0 : index
    %swap3A_33 = arith.constant 0 : index
    %swap3A_34 = vector.load %arg4[%swap3A_32, %swap3A_33] : memref<1x128xi32, #tpu.memory_space<vmem>>, vector<1x128xi32>
    tpu.vector_store %arg4[%swap3A_32, %swap3A_33], %broadcast_in_dim3A_31 {strides = array<i32>} : memref<1x128xi32, #tpu.memory_space<vmem>>, vector<1x128xi32>,
    return
  }
}

</mosaic_0001>

<sc_bundles>
// kernel: kernel.4.cloned.1.call-start
scs
__scs_entry_jumppad:
0x0: {  	(pc) =	sbr.rel $0x88, $3  }
0x1: {  	(tag) =	ssettag $0x0;
	lr =	simm.s32 $0x1  }
0x2: {  	[smem:$0x3F9F] =	sst lr;
	_ =	strace $0xD0000000  }
0x3: {  	_ = 	snop  }
0x4: {  	_ = 	snop  }
0x5: {  	_ = 	snop  }
0x6: {  	_ = 	snop  }
0x7: {  	_ = 	snop  }
__scs_overlays_trampoline_lowered:
0x8: {  	[smem:$0x3FAE] =	sst s0  }
0x9: {  	[smem:$0x3FAF] =	sst s1  }
0xa: {  	[smem:$0x3FB0] =	sst s2  }
0xb: {  	[smem:$0x3FB1] =	sst s3  }
0xc: {  	[smem:$0x3FB2] =	sst s4  }
0xd: {  	[smem:$0x3FB3] =	sst s5  }
0xe: {  	[smem:$0x3FB4] =	sst s6  }
0xf: {  	[smem:$0x3FB5] =	sst s7  }
0x10: {  	[smem:$0x3FB6] =	sst s8  }
0x11: {  	[smem:$0x3FB7] =	sst s9;
	s0 =	simm.s32 @!p0 $0x0  }
0x12: {  	s1 =	sld [smem:$0x3F9D];
	s0 =	simm.s32 @p0 $0x1  }
0x13: {  	[smem:$0x3FB8] =	sst s0;
	s0 =	simm.s32 @!p1 $0x0  }
0x14: {  	s2 =	sld [smem:$0x3F9C];
	s0 =	simm.s32 @p1 $0x1  }
0x15: {  	[smem:$0x3FB9] =	sst s0;
	s0 =	simm.s32 @!p2 $0x0  }
0x16: {  	s3 =	sld [smem:$0x3FDB];
	s0 =	simm.s32 @p2 $0x1  }
0x17: {  	s4 =	simm.s32 $0x1BF5;
	[smem:$0x3FBB] =	sst s0  }
0x18: {  	s0 =	sld [smem:$0x3F9E];
	_ =	swait.ge [sflag:s4], $0x0  }
0x19: {  	s7 =	sld [smem:$0x3F9F]  }
0x1a: {  	s8 =	sadd.s32 $0xFFFFE003, lr  }
0x1b: {  	s9 =	sadd.s32 $0xFFFFFEF7, lr;
	s5 =	simm.s32 $0xFFFFFFFF;
	p2 =	slt.u32 s8, $0xFFFFF086  }
0x1c: {  	p1 =	slt.u32 s9, $0xF7A;
	s5 =	simm.s32 @!p2 $0x0  }
0x1d: {  	s5 =	simm.s32 @p1 $0x1;
	p0 =	seq.s32 s7, s2  }
0x1e: {  	s7 =	smul.u32 @!p0 $0xF7A, s2;
	p2 =	seq.s32 @!p0 s5, $0x0  }
0x1f: {  	s9 =	smul.u32 $0xF7A, s1;
	s8 =	simm.s32 @!p0 $0x1BF5;
	p2 =	por !p2, p0  }
0x20: {  	[sflag:s8] =	ssyncset.s32 @!p0 $0xFFFFF086;
	s6 =	sadd.s32 @!p0 s3, s7;
	s7 =	simm.s32 @!p0 $0x108  }
0x21: {  	s3 =	sadd.s32 s3, s9;
	s6 =	sadd.s32 @!p0 $0x88, s6;
	s7 =	simm.s32 @p2 $0x1082  }
0x22: {  	[simem:s7], [sflag:s8] =	dma.local @!p0 [hbm:s6], $0xF7A  }
0x23: {  	s9 =	sor.u32 $0xD0000000, s2;
	s6 =	simm.s32 $0x108;
	_ =	swait.ge @!p0 [sflag:s8], $0x0  }
0x24: {  	s3 =	sadd.s32 $0x88, s3;
	s6 =	simm.s32 @!p1 $0x1082;
	[sflag:s4] =	ssyncset.s32 $0xFFFFF086  }
0x25: {  	[simem:s6], [sflag:s4] =	dma.local [hbm:s3], $0xF7A  }
0x26: {  	[smem:$0x3F9F] =	sst s1;
	(tag) =	ssettag s2;
	_ =	strace s9  }
0x27: {  	s1 =	sld [smem:$0x3FAF]  }
0x28: {  	s2 =	sld [smem:$0x3FB0]  }
0x29: {  	s4 =	sld [smem:$0x3FB2]  }
0x2a: {  	p0 =	seq.s32 s5, $0x0;
	s5 =	sld [smem:$0x3FB3]  }
0x2b: {  	s6 =	sld [smem:$0x3FB4]  }
0x2c: {  	s7 =	sld [smem:$0x3FB5]  }
0x2d: {  	s3 =	simm.s32 $0x108;
	s8 =	sld [smem:$0x3FB6]  }
0x2e: {  	s3 =	simm.s32 @!p0 $0x1082;
	s9 =	sld [smem:$0x3FB7]  }
0x2f: {  	lr =	sadd.s32 s0, s3;
	s0 =	sld [smem:$0x3FAE]  }
0x30: {  	s3 =	sld [smem:$0x3FB1]  }
0x31: {  	[smem:$0x3FBA] =	sst s10  }
0x32: {  	s10 =	sld [smem:$0x3FB8];
	_ =	sdelay $0x3  }
0x33: {  	p0 =	seq.s32 s10, $0x1;
	s10 =	sld [smem:$0x3FBA];
	_ =	sdelay $0x3  }
0x34: {  	[smem:$0x3FBA] =	sst s10  }
0x35: {  	s10 =	sld [smem:$0x3FB9];
	_ =	sdelay $0x3  }
0x36: {  	p1 =	seq.s32 s10, $0x1;
	s10 =	sld [smem:$0x3FBA];
	_ =	sdelay $0x3  }
0x37: {  	[smem:$0x3FBA] =	sst s10  }
0x38: {  	s10 =	sld [smem:$0x3FBB]  }
0x39: {  	_ = 	snop;
	(pc) =	sbr.ind lr, $3  }
0x3a: {  	_ = 	snop  }
0x3b: {  	_ = 	snop  }
0x3c: {  	p2 =	seq.s32 s10, $0x1;
	s10 =	sld [smem:$0x3FBA]  }
0x3d: {  	_ =	shalt  }
0x3e: {  	_ =	shalt  }
0x3f: {  	_ =	shalt  }
0x40: {  	_ =	shalt  }
0x41: {  	_ =	shalt  }
0x42: {  	_ =	shalt  }
0x43: {  	_ =	shalt  }
0x44: {  	_ =	shalt  }
0x45: {  	_ =	shalt  }
0x46: {  	_ =	shalt  }
0x47: {  	_ =	shalt  }
0x48: {  	_ =	shalt  }
0x49: {  	_ =	shalt  }
0x4a: {  	_ =	shalt  }
0x4b: {  	_ =	shalt  }
0x4c: {  	_ =	shalt  }
0x4d: {  	_ =	shalt  }
0x4e: {  	_ =	shalt  }
0x4f: {  	_ =	shalt  }
0x50: {  	_ =	shalt  }
0x51: {  	_ =	shalt  }
0x52: {  	_ =	shalt  }
0x53: {  	_ =	shalt  }
0x54: {  	_ =	shalt  }
0x55: {  	_ =	shalt  }
0x56: {  	_ =	shalt  }
0x57: {  	_ =	shalt  }
0x58: {  	_ =	shalt  }
0x59: {  	_ =	shalt  }
0x5a: {  	_ =	shalt  }
0x5b: {  	_ =	shalt  }
0x5c: {  	_ =	shalt  }
0x5d: {  	_ =	shalt  }
0x5e: {  	_ =	shalt  }
0x5f: {  	_ =	shalt  }
0x60: {  	_ =	shalt  }
0x61: {  	_ =	shalt  }
0x62: {  	_ =	shalt  }
0x63: {  	_ =	shalt  }
0x64: {  	_ =	shalt  }
0x65: {  	_ =	shalt  }
0x66: {  	_ =	shalt  }
0x67: {  	_ =	shalt  }
0x68: {  	_ =	shalt  }
0x69: {  	_ =	shalt  }
0x6a: {  	_ =	shalt  }
0x6b: {  	_ =	shalt  }
0x6c: {  	_ =	shalt  }
0x6d: {  	_ =	shalt  }
0x6e: {  	_ =	shalt  }
0x6f: {  	_ =	shalt  }
0x70: {  	_ =	shalt  }
0x71: {  	_ =	shalt  }
0x72: {  	_ =	shalt  }
0x73: {  	_ =	shalt  }
0x74: {  	_ =	shalt  }
0x75: {  	_ =	shalt  }
0x76: {  	_ =	shalt  }
0x77: {  	_ =	shalt  }
0x78: {  	_ =	shalt  }
0x79: {  	_ =	shalt  }
0x7a: {  	_ =	shalt  }
0x7b: {  	_ =	shalt  }
0x7c: {  	_ =	shalt  }
0x7d: {  	_ =	shalt  }
0x7e: {  	_ =	shalt  }
0x7f: {  	_ =	shalt  }
0x80: {  	_ =	shalt  }
0x81: {  	_ =	shalt  }
0x82: {  	_ =	shalt  }
0x83: {  	_ =	shalt  }
0x84: {  	_ =	shalt  }
0x85: {  	_ =	shalt  }
0x86: {  	_ =	shalt  }
0x87: {  	_ =	shalt  }
.Lfunc_end0:
.L_simem_size_0:
called_computation_lowered:
.L_overlay_start_0:
0x88: {  	s2 =	sld [smem:$0x3FD9]  }
0x89: {  	s3 =	sld [smem:$0x3FFE];
	_ =	sdelay $0x1  }
0x8a: {  	s1 =	srdreg.scid  }
0x8b: {  	s0 =	sand.u32 $0x1, s1  }
0x8c: {  	s14 =	sshll.u32 s0, $0xA;
	s2 =	sadd.s32 s3, s2  }
0x8d: {  	s2 =	sadd.s32 s2, s14  }
0x8e: {  	[smem:$0x3FC6] =	sst s2  }
0x8f: {  	_ = 	snop  }
0x90: {  	s2 =	sld [smem:$0x3FD0];
	_ =	sdelay $0x2  }
0x91: {  	s15 =	simm.s32 $0xA;
	s4 =	simm.s32 $0x10  }
0x92: {  	[smem:s4], [sflag:s15] =	dma.local [hbm:s2], $0x1  }
0x93: {  	_ =	swait.eq [sflag:s15], $0x1  }
0x94: {  	[sflag:s15] =	ssyncset.done $0x0  }
0x95: {  	[sflag:s15] =	ssyncadd.s32 $0xFFFFFFFF  }
0x96: {  	s16 =	sld [smem:$0x10];
	(tm) =	ssettm $0x1  }
0x97: {  	s17 =	sld [smem:$0x3FFB];
	_ =	sdelay $0x3  }
0x98: {  	_ =	strace s17  }
0x99: {  	s3 =	sld [smem:$0x3FFC];
	_ =	sdelay $0x3  }
0x9a: {  	_ =	strace s3  }
0x9b: {  	s3 =	sld [smem:$0x3FFD];
	_ =	sdelay $0x3  }
0x9c: {  	_ =	strace s3  }
0x9d: {  	_ =	strace $0x8FFFFFFF  }
0x9e: {  	s18 =	sld [smem:$0x3FDB];
	_ =	sdelay $0x1  }
0x9f: {  	s19 =	simm.s32 $_scs_section_size  }
0xa0: {  	s5 =	simm.s32 $_size__tile_overlayer_lowered;
	s6 =	simm.s32 $_tile_overlayer_lowered  }
0xa1: {  	s22 =	simm.s32 $0x1BFF;
	s21 =	sshll.u32 s6, $0x1;
	s3 =	sadd.s32 s19, s18  }
0xa2: {  	s7 =	simm.s32 $0x0;
	s20 =	sshll.u32 s5, $0x1;
	s5 =	sadd.s32 s21, s3  }
0xa3: {  	[timem:s7], [sflag:s22] =	dma.local [hbm:s5], s20  }
0xa4: {  	_ =	swait.ge [sflag:s22], s20  }
0xa5: {  	s4 =	ssub.s32 $0x0, s20;
	[sflag:s22] =	ssyncset.done $0x0  }
0xa6: {  	[sflag:s22] =	ssyncadd.s32 s4;
	_ =	sdelay $0x1  }
0xa7: {  	s23 =	simm.s32 $0x1B8B  }
0xa8: {  	_ =	swait.ge [sflag:s23], $0x1  }
0xa9: {  	[sflag:s23] =	ssyncset.done $0x0  }
0xaa: {  	s25 =	simm.s32 $0x1B8E;
	s24 =	sld [smem:$0x3FFE];
	[sflag:s23] =	ssyncadd.s32 $0xFFFFFFFF  }
0xab: {  	s26 =	simm.s32 $execute0_lowered;
	[smem:$0x3FD2] =	sst s25  }
0xac: {  	s5 =	sshll.u32 s26, $0x1;
	_ =	strace $0x80000046;
	[dreg:$0x1] =	wrdreg $0xFFFFFFFF  }
0xad: {  	s28 =	simm.s32 $_size_execute0_lowered;
	s3 =	sadd.s32 s3, s5;
	[dreg:$0x0] =	wrdreg $0x0  }
0xae: {  	s5 =	sshll.u32 s28, $0x1;
	[dreg:$0x2] =	wrdreg s3  }
0xaf: {  	[dreg:$0x3] =	wrdreg s5  }
0xb0: {  	[dreg:$0x4] =	wrdreg $0xC0  }
0xb1: {  	_ =	task [dreg:s7], $0x5FFFF  }
0xb2: {  	[dreg:$0x1] =	wrdreg $0xFFFFFFFF  }
0xb3: {  	[dreg:$0x0] =	wrdreg $0x60  }
0xb4: {  	[dreg:$0x2] =	wrdreg s24  }
0xb5: {  	[dreg:$0x3] =	wrdreg s16  }
0xb6: {  	[dreg:$0x4] =	wrdreg $0x9  }
0xb7: {  	_ =	task.clear_ibuf [dreg:s7], $0x5FFFF;
	_ =	strace $0x90000046  }
0xb8: {  	s29 =	simm.s32 $0x9;
	_ =	strace $0x80000048  }
0xb9: {  	_ =	swait.ge [sflag:s29], $0x1  }
0xba: {  	[sflag:s29] =	ssyncadd.s32 $0xFFFFFFFF  }
0xbb: {  	_ =	strace $0x90000048  }
0xbc: {  	_ =	sfence  }
0xbd: {  	s30 =	sld [smem:$0x0];
	_ =	sdelay $0x2  }
0xbe: {  	s31 =	sshll.u32 s1, $0xD;
	s1 =	sshrl.u32 s1, $0x2  }
0xbf: {  	s3 =	sand.u32 $0x4000, s31;
	s1 =	sadd.s32 s1, s30  }
0xc0: {  	s0 =	sor.u32 s3, s0;
	s1 =	sshll.u32 s1, $0x11  }
0xc1: {  	s0 =	sor.u32 s1, s0  }
0xc2: {  	s0 =	sadd.s32 $0x8F2B, s0  }
0xc3: {  	[sflag:s0] =	ssyncadd.remote.s32 $0x1  }
0xc4: {  	_ =	sfence.sel $0xFFFF  }
0xc5: {  	[dreg:$0x0] =	wrdreg $0xFFFFFFFF;
	(pc) =	sbr.abs _section_cstart, $3  }
0xc6: {  	[dreg:$0x1] =	wrdreg $0xFFFFFFFF  }
0xc7: {  	_ =	task.clear_ibuf [dreg:s7], $0x2FFFF;
	_ =	strace $0x9FFFFFFF  }
0xc8: {  	(tm) =	ssettm $0x7FFFFFFF  }
0xc9: {  	_ =	shalt  }
tec
execute0_lowered:
.L_overlay_start_1:
0x0: {  	(tag) =	ssettag $0x1  }
0x1: {  	s1 =	srdreg.scid  }
0x2: {  	s4 =	sand.u32 $0x1, s1;
	s1 =	stileid.u32  }
0x3: {  	s5 =	sshll.u32 s4, $0x4;
	s6 =	ssub.s32 $0x0, s1  }
0x4: {  	p0 =	sne.s32 s5, s6  }
.Ltmp0:
0x5: {  	_ = 	snop;
	(pc) =	sbr.rel @p0 .LBB2_11-.Ltmp0, $4  }
0x6: {  	s8 =	rddreg [dreg:$0x0]  }
0x7: {  	s2 =	rddreg [dreg:$0x1];
	s3 =	simm.s32 $0x0  }
0x8: {  	[smem:$0x7FF] =	sst s3  }
0x9: {  	s0 =	rddreg [dreg:$0x2];
	_ =	strace $0x80000047  }
0xa: {  	s9 =	ssub.s32 $0x2, s4  }
0xb: {  	s4 =	sadd.s32 $0xC00, s8;
	s5 =	sadd.s32 $0x8C00, s8;
	s6 =	sadd.s32 $0x6C00, s8  }
0xc: {  	s7 =	sadd.s32 $0x4C00, s8;
	s8 =	sadd.s32 $0x2C00, s8;
	s10 =	sshrl.u32 s9, $0x1  }
0xd: {  	s11 =	simm.s32 $0x1;
	s12 =	simm.s32 $0x10000;
	s9 =	ssub.s32 s9, s10  }
0xe: {  	vm0 =	vcmask $0x3F3C;
	v0 =	vlaneseq.u32;
	s13 =	simm.s32 $0x0;
	s10 =	simm.s32 $0x10800;
	s9 =	smax.u32 s9, $0x1  }
.LBB2_2:
0xf: {  	s14 =	simm.s32 $0x0  }
0x10: {  	[tilespmem:s10], [sflag:$0x1] =	stream.linear.gather [hbm4b:s5+s14], $0x80, $0x38;
	[tilespmem:$0x10880] =	vst v63  }
0x11: {  	_ =	swait.ge [sflag:s11], $0x80  }
0x12: {  	[sflag:s11] =	ssyncset.done $0x0  }
0x13: {  	[sflag:s11] =	ssyncadd.s32 $0xFFFFFF80  }
0x14: {  	v1 =	vld [tilespmem:$0x10800];
	_ =	sdelay $0x4  }
0x15: {  	(v2sf) =	vpush v1, $0x0;
	_ =	sdelay $0xd  }
0x16: {  	[tilespmem:s14], [sflag:$0x1] =	stream.linear.gather [hbm4b:s6+s14], $0x10000, $0x38;
	[tilespmem:$0x10880] =	vst v63  }
0x17: {  	s15 =	spop (v2sf)  }
0x18: {  	_ =	swait.ge [sflag:s11], $0x10000;
	s16 =	sadd.s32 $0x0, s15  }
0x19: {  	s15 =	sand.u32 $0x7F, s15;
	[sflag:s11] =	ssyncset.done $0x0;
	s16 =	sand.u32 $0xFFFFFF80, s16  }
0x1a: {  	[sflag:s11] =	ssyncadd.s32 $0xFFFF0000;
	s15 =	sor.u32 s15, s16  }
0x1b: {  	v2 =	vld [tilespmem:s15+$0xFF80];
	_ =	sdelay $0x2  }
0x1c: {  	s30 =	simm.s32 $0x7FE  }
0x1d: {  	s31 =	sand.u32 $0xF, s30;
	v1 =	vbroadcast v1, $0x0  }
0x1e: {  	v3 =	vmov s31;
	v4 =	vbroadcast v2, $0x0;
	(v2sf) =	vpush v2, $0x0  }
0x1f: {  	vm1 =	veq.s32 v3, v0;
	v1 =	vnsel vm0, $0x0, v1  }
0x20: {  	p0 =	sne.s32 s31, $0x0;
	s15 =	simm.s32 $0x107FE;
	v1 =	vsel vm1, v4, v1  }
0x21: {  	s16 =	simm.s32 $0x7FD;
	[tilespmem:s15+$0x0] =	vst @!p0 v1  }
.LBB2_3:
0x22: {  	_ =	sdelay $0x8  }
0x23: {  	s17 =	smov.u32 s16;
	s16 =	sadd.s32 $0xFFFFFFFF, s16  }
0x24: {  	p0 =	sne.s32 s16, $0x5FE  }
0x25: {  	s14 =	sadd.s32 $0xFFFFFF80, s14;
	s18 =	spop (v2sf)  }
0x26: {  	s19 =	sadd.s32 s14, s18  }
0x27: {  	s18 =	sand.u32 $0x7F, s18;
	s19 =	sand.u32 $0xFFFFFF80, s19  }
0x28: {  	s18 =	sor.u32 s18, s19  }
0x29: {  	v2 =	vld [tilespmem:s18+$0xFF80];
	_ =	sdelay $0x3  }
.Ltmp1:
0x2a: {  	s17 =	sand.u32 $0xF, s17;
	(pc) =	sbr.rel @p0 .LBB2_3-.Ltmp1, $4  }
0x2b: {  	v3 =	vmov s17;
	v4 =	vbroadcast v2, $0x0;
	(v2sf) =	vpush v2, $0x0  }
0x2c: {  	vm1 =	veq.s32 v3, v0  }
0x2d: {  	s15 =	sadd.s32 $0xFFFFFFFF, s15;
	p1 =	sne.s32 s17, $0x0;
	v1 =	vsel vm1, v4, v1  }
0x2e: {  	[tilespmem:s15+$0x0] =	vst @!p1 v1  }
0x2f: {  	_ =	sdelay $0x8  }
0x30: {  	s14 =	simm.s32 $0x0  }
0x31: {  	[tilespmem:s14], [sflag:$0x1] =	stream.linear.gather [hbm4b:s7+s14], $0x10000, $0x38;
	[tilespmem:$0x10880] =	vst v63  }
0x32: {  	s15 =	spop (v2sf)  }
0x33: {  	_ =	swait.ge [sflag:s11], $0x10000;
	s16 =	sadd.s32 $0x0, s15  }
0x34: {  	s15 =	sand.u32 $0x7F, s15;
	[sflag:s11] =	ssyncset.done $0x0;
	s16 =	sand.u32 $0xFFFFFF80, s16  }
0x35: {  	[sflag:s11] =	ssyncadd.s32 $0xFFFF0000;
	s15 =	sor.u32 s15, s16  }
0x36: {  	v2 =	vld [tilespmem:s15+$0xFF80];
	_ =	sdelay $0x2  }
0x37: {  	s30 =	simm.s32 $0x5FE  }
0x38: {  	s31 =	sand.u32 $0xF, s30  }
0x39: {  	v3 =	vmov s31;
	v4 =	vbroadcast v2, $0x0;
	(v2sf) =	vpush v2, $0x0  }
0x3a: {  	vm1 =	veq.s32 v3, v0  }
0x3b: {  	p0 =	sne.s32 s31, $0x0;
	s15 =	simm.s32 $0x105FE;
	v1 =	vsel vm1, v4, v1  }
0x3c: {  	s16 =	simm.s32 $0x5FD;
	[tilespmem:s15+$0x0] =	vst @!p0 v1  }
.LBB2_5:
0x3d: {  	_ =	sdelay $0x8  }
0x3e: {  	s17 =	smov.u32 s16;
	s16 =	sadd.s32 $0xFFFFFFFF, s16  }
0x3f: {  	p0 =	sne.s32 s16, $0x3FE  }
0x40: {  	s14 =	sadd.s32 $0xFFFFFF80, s14;
	s18 =	spop (v2sf)  }
0x41: {  	s19 =	sadd.s32 s14, s18  }
0x42: {  	s18 =	sand.u32 $0x7F, s18;
	s19 =	sand.u32 $0xFFFFFF80, s19  }
0x43: {  	s18 =	sor.u32 s18, s19  }
0x44: {  	v2 =	vld [tilespmem:s18+$0xFF80];
	_ =	sdelay $0x3  }
.Ltmp2:
0x45: {  	s17 =	sand.u32 $0xF, s17;
	(pc) =	sbr.rel @p0 .LBB2_5-.Ltmp2, $4  }
0x46: {  	v3 =	vmov s17;
	v4 =	vbroadcast v2, $0x0;
	(v2sf) =	vpush v2, $0x0  }
0x47: {  	vm1 =	veq.s32 v3, v0  }
0x48: {  	s15 =	sadd.s32 $0xFFFFFFFF, s15;
	p1 =	sne.s32 s17, $0x0;
	v1 =	vsel vm1, v4, v1  }
0x49: {  	[tilespmem:s15+$0x0] =	vst @!p1 v1  }
0x4a: {  	_ =	sdelay $0x8  }
0x4b: {  	s14 =	simm.s32 $0x0  }
0x4c: {  	[tilespmem:s14], [sflag:$0x1] =	stream.linear.gather [hbm4b:s8+s14], $0x10000, $0x38;
	[tilespmem:$0x10880] =	vst v63  }
0x4d: {  	s15 =	spop (v2sf)  }
0x4e: {  	_ =	swait.ge [sflag:s11], $0x10000;
	s16 =	sadd.s32 $0x0, s15  }
0x4f: {  	s15 =	sand.u32 $0x7F, s15;
	[sflag:s11] =	ssyncset.done $0x0;
	s16 =	sand.u32 $0xFFFFFF80, s16  }
0x50: {  	[sflag:s11] =	ssyncadd.s32 $0xFFFF0000;
	s15 =	sor.u32 s15, s16  }
0x51: {  	v2 =	vld [tilespmem:s15+$0xFF80];
	_ =	sdelay $0x2  }
0x52: {  	s30 =	simm.s32 $0x3FE  }
0x53: {  	s31 =	sand.u32 $0xF, s30  }
0x54: {  	v3 =	vmov s31;
	v4 =	vbroadcast v2, $0x0;
	(v2sf) =	vpush v2, $0x0  }
0x55: {  	vm1 =	veq.s32 v3, v0  }
0x56: {  	p0 =	sne.s32 s31, $0x0;
	s15 =	simm.s32 $0x103FE;
	v1 =	vsel vm1, v4, v1  }
0x57: {  	s16 =	simm.s32 $0x3FD;
	[tilespmem:s15+$0x0] =	vst @!p0 v1  }
.LBB2_7:
0x58: {  	_ =	sdelay $0x8  }
0x59: {  	s17 =	smov.u32 s16;
	s16 =	sadd.s32 $0xFFFFFFFF, s16  }
0x5a: {  	p0 =	sne.s32 s16, $0x1FE  }
0x5b: {  	s14 =	sadd.s32 $0xFFFFFF80, s14;
	s18 =	spop (v2sf)  }
0x5c: {  	s19 =	sadd.s32 s14, s18  }
0x5d: {  	s18 =	sand.u32 $0x7F, s18;
	s19 =	sand.u32 $0xFFFFFF80, s19  }
0x5e: {  	s18 =	sor.u32 s18, s19  }
0x5f: {  	v2 =	vld [tilespmem:s18+$0xFF80];
	_ =	sdelay $0x3  }
.Ltmp3:
0x60: {  	s17 =	sand.u32 $0xF, s17;
	(pc) =	sbr.rel @p0 .LBB2_7-.Ltmp3, $4  }
0x61: {  	v3 =	vmov s17;
	v4 =	vbroadcast v2, $0x0;
	(v2sf) =	vpush v2, $0x0  }
0x62: {  	vm1 =	veq.s32 v3, v0  }
0x63: {  	s15 =	sadd.s32 $0xFFFFFFFF, s15;
	p1 =	sne.s32 s17, $0x0;
	v1 =	vsel vm1, v4, v1  }
0x64: {  	[tilespmem:s15+$0x0] =	vst @!p1 v1  }
0x65: {  	_ =	sdelay $0x8  }
0x66: {  	s14 =	simm.s32 $0x0  }
0x67: {  	[tilespmem:s14], [sflag:$0x1] =	stream.linear.gather [hbm4b:s4+s14], $0x10000, $0x38;
	[tilespmem:$0x10880] =	vst v63  }
0x68: {  	s15 =	spop (v2sf)  }
0x69: {  	_ =	swait.ge [sflag:s11], $0x10000;
	s16 =	sadd.s32 $0x0, s15  }
0x6a: {  	s15 =	sand.u32 $0x7F, s15;
	[sflag:s11] =	ssyncset.done $0x0;
	s16 =	sand.u32 $0xFFFFFF80, s16  }
0x6b: {  	[sflag:s11] =	ssyncadd.s32 $0xFFFF0000;
	s15 =	sor.u32 s15, s16  }
0x6c: {  	v2 =	vld [tilespmem:s15+$0xFF80];
	_ =	sdelay $0x2  }
0x6d: {  	s30 =	simm.s32 $0x1FE  }
0x6e: {  	s31 =	sand.u32 $0xF, s30  }
0x6f: {  	v3 =	vmov s31;
	v4 =	vbroadcast v2, $0x0;
	(v2sf) =	vpush v2, $0x0  }
0x70: {  	vm1 =	veq.s32 v3, v0  }
0x71: {  	p0 =	sne.s32 s31, $0x0;
	s15 =	simm.s32 $0x101FE;
	v1 =	vsel vm1, v4, v1  }
0x72: {  	s16 =	simm.s32 $0x1FD;
	[tilespmem:s15+$0x0] =	vst @!p0 v1  }
.LBB2_9:
0x73: {  	_ =	sdelay $0x8  }
0x74: {  	s17 =	smov.u32 s16;
	s16 =	sadd.s32 $0xFFFFFFFF, s16  }
0x75: {  	p0 =	sne.s32 s16, $0xFFFFFFFF  }
0x76: {  	s14 =	sadd.s32 $0xFFFFFF80, s14;
	s18 =	spop (v2sf)  }
0x77: {  	s19 =	sadd.s32 s14, s18  }
0x78: {  	s18 =	sand.u32 $0x7F, s18;
	s19 =	sand.u32 $0xFFFFFF80, s19  }
0x79: {  	s18 =	sor.u32 s18, s19  }
0x7a: {  	v2 =	vld [tilespmem:s18+$0xFF80];
	_ =	sdelay $0x3  }
.Ltmp4:
0x7b: {  	s17 =	sand.u32 $0xF, s17;
	(pc) =	sbr.rel @p0 .LBB2_9-.Ltmp4, $4  }
0x7c: {  	v3 =	vmov s17;
	v4 =	vbroadcast v2, $0x0;
	(v2sf) =	vpush v2, $0x0  }
0x7d: {  	vm1 =	veq.s32 v3, v0  }
0x7e: {  	s15 =	sadd.s32 $0xFFFFFFFF, s15;
	p1 =	sne.s32 s17, $0x0;
	v1 =	vsel vm1, v4, v1  }
0x7f: {  	[tilespmem:s15+$0x0] =	vst @!p1 v1  }
0x80: {  	_ =	sdelay $0x6  }
0x81: {  	[hbm4b:s2+s3] =	stream.linear.scatter [tilespmem:s12], [sflag:$0x1], $0x800, $0x38;
	[tilespmem:$0x10880] =	vst v63  }
0x82: {  	s13 =	sadd.s32 $0x1, s13  }
0x83: {  	p0 =	sne.s32 s13, s9  }
.Ltmp5:
0x84: {  	_ = 	snop;
	(pc) =	sbr.rel @p0 .LBB2_2-.Ltmp5, $4  }
0x85: {  	s14 =	spop (v2sf)  }
0x86: {  	_ =	swait.ge [sflag:s11], $0x800  }
0x87: {  	[sflag:s11] =	ssyncset.done $0x0  }
0x88: {  	[sflag:s11] =	ssyncadd.s32 $0xFFFFF800  }
.LBB2_11:
0x89: {  	_ =	sfence.sel $0x180000  }
0x8a: {  	[bflag:$0x0] =	sbarrier.arrive $0xFFFF  }
0x8b: {  	p0 =	sne.s32 s1, $0x0;
	_ =	strace $0x90000047  }
0x8c: {  	s0 =	sadd.s32 @!p0 $0x100000, s0;
	[bflag:$0x2] =	sbarrier.arrive $0xFFFF  }
0x8d: {  	[sflag:s0] =	ssyncadd.tile.s32 @!p0 $0x1;
	_ =	shalt  }
.Lfunc_end2:
_tile_overlayer_lowered:
.L_overlay_start_2:
0x8e: {  	(tag) =	ssettag $0x2  }
0x8f: {  	s0 =	rddreg [dreg:$0x0];
	s2 =	stileid.u32  }
0x90: {  	s1 =	rddreg [dreg:$0x1];
	p0 =	sne.s32 s2, $0x0  }
0x91: {  	s3 =	rddreg [dreg:$0x2];
	[bflag:$0x3] =	sbarrier.arrive $0xFFFF;
	s2 =	simm.s32 @!p0 $0x1C01  }
0x92: {  	[timem:s3], [sflag:s2] =	dma.local @!p0 [hbm:s0], s1  }
0x93: {  	s0 =	simm.s32 @!p0 $0x1  }
0x94: {  	_ =	swait.ge @!p0 [sflag:s0], s1  }
0x95: {  	s1 =	ssub.s32 @!p0 $0x0, s1;
	[sflag:s0] =	ssyncset.done @!p0 $0x0  }
0x96: {  	[sflag:s0] =	ssyncadd.s32 @!p0 s1  }
0x97: {  	[bflag:$0x3] =	sbarrier.arrive $0xFFFF  }
0x98: {  	_ =	shalt  }

</sc_bundles>
